<compile_context>
chip_gen: v7x
topology: tpu7x:2x2x1
jax: 0.10.2.dev20260603
libtpu: 0.0.44.dev20260713+nightly
codegen_flags: <defaults>
</compile_context>

<pallas_src>
import functools

import jax
import jax.numpy as jnp
from jax import lax
from jax.experimental import pallas as pl
from jax.experimental.pallas import tpu as pltpu
from jax.experimental.pallas import tpu_sc as plsc

_BETA = 0.25



def _make_sc_gather(v, d, b, ch):
    nw = 32
    b_per_w = b // nw
    mesh = plsc.VectorSubcoreMesh(core_axis_name="c", subcore_axis_name="s")

    @functools.partial(
        pl.kernel, mesh=mesh,
        out_type=jax.ShapeDtypeStruct((b, d), jnp.float32),
        scratch_types=[
            pltpu.VMEM((ch,), jnp.int32),
            pltpu.VMEM((ch, d), jnp.float32),
            pltpu.SemaphoreType.DMA,
        ],
    )
    def gather(table_hbm, idx_hbm, out_hbm, idx_v, rows_v, sem):
        wid = lax.axis_index("s") * 2 + lax.axis_index("c")
        base = wid * b_per_w
        for c in range(b_per_w // ch):
            off = base + c * ch
            pltpu.sync_copy(idx_hbm.at[pl.ds(off, ch)], idx_v)
            pltpu.async_copy(table_hbm.at[idx_v], rows_v, sem).wait()
            pltpu.sync_copy(rows_v, out_hbm.at[pl.ds(off, ch)])

    return gather



def _loss_body(q_ref, x_ref, out_ref):
    diff = q_ref[...] - x_ref[...]
    part = jnp.sum(diff * diff).reshape(1, 1)
    prev = jnp.where(pl.program_id(0) == 0,
                     jnp.zeros((1, 1), jnp.float32), out_ref[...])
    out_ref[...] = prev + part


def _sq_residual_sum(q, x, *, bn: int):
    n, d = x.shape
    nb = n // bn
    out = pl.pallas_call(
        _loss_body,
        grid=(nb,),
        in_specs=[
            pl.BlockSpec((bn, d), lambda i: (i, 0)),
            pl.BlockSpec((bn, d), lambda i: (i, 0)),
        ],
        out_specs=pl.BlockSpec((1, 1), lambda i: (0, 0)),
        out_shape=jax.ShapeDtypeStruct((1, 1), jnp.float32),
    )(q, x)
    return out[0, 0]



def kernel(x, W):
    n, d = x.shape
    k = W.shape[0]

    distances = (jnp.sum(x ** 2, axis=1, keepdims=True)
                 + jnp.sum(W ** 2, axis=1)
                 - 2.0 * jnp.matmul(x, W.T))
    idx = jnp.argmin(distances, axis=1)

    wq = W.astype(jnp.bfloat16).astype(jnp.float32)
    quantized = _make_sc_gather(k, d, n, 256)(wq, idx.astype(jnp.int32))

    loss_sum = _sq_residual_sum(quantized, x, bn=2048)
    vq_loss = loss_sum * ((1.0 + _BETA) / (n * d))
    return quantized, vq_loss

# --- scband reference (transcript-rebuilt; emitter-appended) ---
"""Pipeline reference for scband-quantization-layer-37366215475690 (READ-ONLY COPY).

The authoritative reference and input builder live on the scoring server;
editing this copy changes nothing except your own understanding.
"""

import jax, jax.numpy as jnp
import numpy as np

N, D, K, BETA = 16384, 256, 8192, 0.25

def setup_inputs(seed: int = 0) -> dict:
    key = jax.random.key(seed)
    k1, k2 = jax.random.split(key)
    x = jax.random.normal(k1, (N, D), dtype=jnp.float32)
    # xavier_uniform_ on embedding weight [K, D]
    limit = float(np.sqrt(6.0 / (K + D)))
    W = jax.random.uniform(k2, (K, D), minval=-limit, maxval=limit, dtype=jnp.float32)
    return {"x": x, "W": W}

def reference(x, W):
    # distances[i, j] = ||x_i||^2 + ||w_j||^2 - 2 x_i . w_j
    distances = (jnp.sum(x ** 2, axis=1, keepdims=True)
                 + jnp.sum(W ** 2, axis=1)
                 - 2.0 * jnp.matmul(x, W.T))
    encoding_indices = jnp.argmin(distances, axis=1)
    # one-hot scatter then matmul, faithful to torch scatter_ + matmul
    encodings = jax.nn.one_hot(encoding_indices, K, dtype=x.dtype)
    quantized = jnp.matmul(encodings, W)
    commitment_loss = jnp.mean((jax.lax.stop_gradient(quantized) - x) ** 2)
    embedding_loss = jnp.mean((quantized - jax.lax.stop_gradient(x)) ** 2)
    vq_loss = commitment_loss * BETA + embedding_loss
    quantized_detach = jax.lax.stop_gradient(quantized - x) + x
    return (quantized_detach, vq_loss)

if __name__ == "__main__":
    import jax
    _d = setup_inputs()
    print(jax.jit(kernel)(*tuple(_d.values())))

</pallas_src>

<mosaic_0001>
#map = affine_map<(d0, d1) -> (0, 0)>
#map1 = affine_map<(d0, d1) -> (0)>
module attributes {stable_mosaic.version = 14 : i64} {
  func.func @gather(%arg0: i32, %arg1: i32, %arg2: memref<8192x256xf32, #tpu.memory_space<hbm>>, %arg3: memref<16384xi32, #tpu.memory_space<hbm>>, %arg4: memref<16384x256xf32, #tpu.memory_space<hbm>>, %arg5: memref<256xi32, #tpu.memory_space<vmem>>, %arg6: memref<256x256xf32, #tpu.memory_space<vmem>>, %arg7: memref<!tpu.dma_semaphore, #tpu.memory_space<semaphore_mem>>) attributes {dimension_semantics = [#tpu.dimension_semantics<core_parallel>, #tpu.dimension_semantics<subcore_parallel>], iteration_bounds = array<i64: 2, 16>, scalar_prefetch = 0 : i64, scratch_operands = 3 : i64, tpu.core_type = #tpu.core_type<sc_vector_subcore>, window_params = [{transform_indices = #map}, {transform_indices = #map1}, {transform_indices = #map}]} {
    %mul3A = arith.constant 2 : i32
    %mul3A_0 = arith.muli %arg1, %mul3A : i32
    %add3A = arith.addi %mul3A_0, %arg0 : i32
    %mul3A_1 = arith.constant 512 : i32
    %mul3A_2 = arith.muli %add3A, %mul3A_1 : i32
    %add3A_3 = arith.constant 0 : i32
    %add3A_4 = arith.addi %mul3A_2, %add3A_3 : i32
    "tpu.region"() ({
      %run_scoped3A = tpu.sem_alloc : memref<!tpu.dma_semaphore, #tpu.memory_space<semaphore_mem>>
      %dma_start3A_17 = tpu.memref_slice %arg3[%add3A_4] : memref<16384xi32, #tpu.memory_space<hbm>> -> memref<256xi32, #tpu.memory_space<hbm>>
      %dma_start3A_18 = tpu.memref_slice %arg3[%add3A_4] : memref<16384xi32, #tpu.memory_space<hbm>> -> memref<256xi32, #tpu.memory_space<hbm>>
      tpu.enqueue_dma source(%dma_start3A_18 : memref<256xi32, #tpu.memory_space<hbm>>) target(%arg5 : memref<256xi32, #tpu.memory_space<vmem>>) target_semaphore(%run_scoped3A : memref<!tpu.dma_semaphore, #tpu.memory_space<semaphore_mem>>)
      %dma_wait3A_19 = tpu.memref_slice %arg3[%add3A_4] : memref<16384xi32, #tpu.memory_space<hbm>> -> memref<256xi32, #tpu.memory_space<hbm>>
      %dma_wait3A_20 = tpu.memref_slice %arg3[%add3A_4] : memref<16384xi32, #tpu.memory_space<hbm>> -> memref<256xi32, #tpu.memory_space<hbm>>
      tpu.wait_dma2 semaphore(%run_scoped3A : memref<!tpu.dma_semaphore, #tpu.memory_space<semaphore_mem>>) src(%dma_wait3A_20 : memref<256xi32, #tpu.memory_space<hbm>>) dst(%arg5 : memref<256xi32, #tpu.memory_space<vmem>>)
      tpu.yield
    }) : () -> ()
    %dma_start3A = arith.constant 0 : i32
    %dma_start3A_5 = arith.constant 0 : i32
    %dma_start3A_6 = tpu.memref_slice %arg2[%dma_start3A, %dma_start3A_5] : memref<8192x256xf32, #tpu.memory_space<hbm>> -> memref<8192x256xf32, #tpu.memory_space<hbm>>
    tpu.enqueue_indirect_dma source(%dma_start3A_6 : memref<8192x256xf32, #tpu.memory_space<hbm>>) target(%arg6 : memref<256x256xf32, #tpu.memory_space<vmem>>) offsets(%arg5 : memref<256xi32, #tpu.memory_space<vmem>>) semaphore(%arg7 : memref<!tpu.dma_semaphore, #tpu.memory_space<semaphore_mem>>)
    %dma_wait3A = arith.constant 0 : i32
    %dma_wait3A_7 = arith.constant 0 : i32
    %dma_wait3A_8 = tpu.memref_slice %arg2[%dma_wait3A, %dma_wait3A_7] : memref<8192x256xf32, #tpu.memory_space<hbm>> -> memref<8192x256xf32, #tpu.memory_space<hbm>>
    tpu.wait_indirect_dma semaphore(%arg7 : memref<!tpu.dma_semaphore, #tpu.memory_space<semaphore_mem>>) src(%dma_wait3A_8 : memref<8192x256xf32, #tpu.memory_space<hbm>>) dst(%arg6 : memref<256x256xf32, #tpu.memory_space<vmem>>)
    "tpu.region"() ({
      %run_scoped3A = tpu.sem_alloc : memref<!tpu.dma_semaphore, #tpu.memory_space<semaphore_mem>>
      %dma_start3A_17 = arith.constant 0 : i32
      %dma_start3A_18 = tpu.memref_slice %arg4[%add3A_4, %dma_start3A_17] : memref<16384x256xf32, #tpu.memory_space<hbm>> -> memref<256x256xf32, #tpu.memory_space<hbm>>
      %dma_start3A_19 = arith.constant 0 : i32
      %dma_start3A_20 = tpu.memref_slice %arg4[%add3A_4, %dma_start3A_19] : memref<16384x256xf32, #tpu.memory_space<hbm>> -> memref<256x256xf32, #tpu.memory_space<hbm>>
      tpu.enqueue_dma source(%arg6 : memref<256x256xf32, #tpu.memory_space<vmem>>) target(%dma_start3A_20 : memref<256x256xf32, #tpu.memory_space<hbm>>) target_semaphore(%run_scoped3A : memref<!tpu.dma_semaphore, #tpu.memory_space<semaphore_mem>>)
      %dma_wait3A_21 = arith.constant 0 : i32
      %dma_wait3A_22 = tpu.memref_slice %arg4[%add3A_4, %dma_wait3A_21] : memref<16384x256xf32, #tpu.memory_space<hbm>> -> memref<256x256xf32, #tpu.memory_space<hbm>>
      %dma_wait3A_23 = arith.constant 0 : i32
      %dma_wait3A_24 = tpu.memref_slice %arg4[%add3A_4, %dma_wait3A_23] : memref<16384x256xf32, #tpu.memory_space<hbm>> -> memref<256x256xf32, #tpu.memory_space<hbm>>
      tpu.wait_dma2 semaphore(%run_scoped3A : memref<!tpu.dma_semaphore, #tpu.memory_space<semaphore_mem>>) src(%arg6 : memref<256x256xf32, #tpu.memory_space<vmem>>) dst(%dma_wait3A_24 : memref<256x256xf32, #tpu.memory_space<hbm>>)
      tpu.yield
    }) : () -> ()
    %add3A_9 = arith.constant 256 : i32
    %add3A_10 = arith.addi %mul3A_2, %add3A_9 : i32
    "tpu.region"() ({
      %run_scoped3A = tpu.sem_alloc : memref<!tpu.dma_semaphore, #tpu.memory_space<semaphore_mem>>
      %dma_start3A_17 = tpu.memref_slice %arg3[%add3A_10] : memref<16384xi32, #tpu.memory_space<hbm>> -> memref<256xi32, #tpu.memory_space<hbm>>
      %dma_start3A_18 = tpu.memref_slice %arg3[%add3A_10] : memref<16384xi32, #tpu.memory_space<hbm>> -> memref<256xi32, #tpu.memory_space<hbm>>
      tpu.enqueue_dma source(%dma_start3A_18 : memref<256xi32, #tpu.memory_space<hbm>>) target(%arg5 : memref<256xi32, #tpu.memory_space<vmem>>) target_semaphore(%run_scoped3A : memref<!tpu.dma_semaphore, #tpu.memory_space<semaphore_mem>>)
      %dma_wait3A_19 = tpu.memref_slice %arg3[%add3A_10] : memref<16384xi32, #tpu.memory_space<hbm>> -> memref<256xi32, #tpu.memory_space<hbm>>
      %dma_wait3A_20 = tpu.memref_slice %arg3[%add3A_10] : memref<16384xi32, #tpu.memory_space<hbm>> -> memref<256xi32, #tpu.memory_space<hbm>>
      tpu.wait_dma2 semaphore(%run_scoped3A : memref<!tpu.dma_semaphore, #tpu.memory_space<semaphore_mem>>) src(%dma_wait3A_20 : memref<256xi32, #tpu.memory_space<hbm>>) dst(%arg5 : memref<256xi32, #tpu.memory_space<vmem>>)
      tpu.yield
    }) : () -> ()
    %dma_start3A_11 = arith.constant 0 : i32
    %dma_start3A_12 = arith.constant 0 : i32
    %dma_start3A_13 = tpu.memref_slice %arg2[%dma_start3A_11, %dma_start3A_12] : memref<8192x256xf32, #tpu.memory_space<hbm>> -> memref<8192x256xf32, #tpu.memory_space<hbm>>
    tpu.enqueue_indirect_dma source(%dma_start3A_13 : memref<8192x256xf32, #tpu.memory_space<hbm>>) target(%arg6 : memref<256x256xf32, #tpu.memory_space<vmem>>) offsets(%arg5 : memref<256xi32, #tpu.memory_space<vmem>>) semaphore(%arg7 : memref<!tpu.dma_semaphore, #tpu.memory_space<semaphore_mem>>)
    %dma_wait3A_14 = arith.constant 0 : i32
    %dma_wait3A_15 = arith.constant 0 : i32
    %dma_wait3A_16 = tpu.memref_slice %arg2[%dma_wait3A_14, %dma_wait3A_15] : memref<8192x256xf32, #tpu.memory_space<hbm>> -> memref<8192x256xf32, #tpu.memory_space<hbm>>
    tpu.wait_indirect_dma semaphore(%arg7 : memref<!tpu.dma_semaphore, #tpu.memory_space<semaphore_mem>>) src(%dma_wait3A_16 : memref<8192x256xf32, #tpu.memory_space<hbm>>) dst(%arg6 : memref<256x256xf32, #tpu.memory_space<vmem>>)
    "tpu.region"() ({
      %run_scoped3A = tpu.sem_alloc : memref<!tpu.dma_semaphore, #tpu.memory_space<semaphore_mem>>
      %dma_start3A_17 = arith.constant 0 : i32
      %dma_start3A_18 = tpu.memref_slice %arg4[%add3A_10, %dma_start3A_17] : memref<16384x256xf32, #tpu.memory_space<hbm>> -> memref<256x256xf32, #tpu.memory_space<hbm>>
      %dma_start3A_19 = arith.constant 0 : i32
      %dma_start3A_20 = tpu.memref_slice %arg4[%add3A_10, %dma_start3A_19] : memref<16384x256xf32, #tpu.memory_space<hbm>> -> memref<256x256xf32, #tpu.memory_space<hbm>>
      tpu.enqueue_dma source(%arg6 : memref<256x256xf32, #tpu.memory_space<vmem>>) target(%dma_start3A_20 : memref<256x256xf32, #tpu.memory_space<hbm>>) target_semaphore(%run_scoped3A : memref<!tpu.dma_semaphore, #tpu.memory_space<semaphore_mem>>)
      %dma_wait3A_21 = arith.constant 0 : i32
      %dma_wait3A_22 = tpu.memref_slice %arg4[%add3A_10, %dma_wait3A_21] : memref<16384x256xf32, #tpu.memory_space<hbm>> -> memref<256x256xf32, #tpu.memory_space<hbm>>
      %dma_wait3A_23 = arith.constant 0 : i32
      %dma_wait3A_24 = tpu.memref_slice %arg4[%add3A_10, %dma_wait3A_23] : memref<16384x256xf32, #tpu.memory_space<hbm>> -> memref<256x256xf32, #tpu.memory_space<hbm>>
      tpu.wait_dma2 semaphore(%run_scoped3A : memref<!tpu.dma_semaphore, #tpu.memory_space<semaphore_mem>>) src(%arg6 : memref<256x256xf32, #tpu.memory_space<vmem>>) dst(%dma_wait3A_24 : memref<256x256xf32, #tpu.memory_space<hbm>>)
      tpu.yield
    }) : () -> ()
    return
  }
}

module attributes {stable_mosaic.version = 14 : i64} {
  func.func @_loss_body(%arg0: i32, %arg1: memref<2048x256xf32, #tpu.memory_space<vmem>>, %arg2: memref<2048x256xf32, #tpu.memory_space<vmem>>, %arg3: memref<1x1xf32, #tpu.memory_space<vmem>>) attributes {dimension_semantics = [#tpu.dimension_semantics<arbitrary>], iteration_bounds = array<i64: 8>, scalar_prefetch = 0 : i64, scratch_operands = 0 : i64, tpu.core_type = #tpu.core_type<tc>, window_params = [{transform_indices = @transform_0, window_bounds = array<i64: 2048, 256>}, {transform_indices = @transform_1, window_bounds = array<i64: 2048, 256>}, {pipeline_mode = #tpu.pipeline_mode<synchronous>, transform_indices = @transform_2, window_bounds = array<i64: 1, 1>}]} {
    %get3A = arith.constant 0 : index
    %get3A_0 = arith.constant 0 : index
    %get3A_1 = vector.load %arg1[%get3A, %get3A_0] : memref<2048x256xf32, #tpu.memory_space<vmem>>, vector<2048x256xf32>
    %get3A_2 = arith.constant 0 : index
    %get3A_3 = arith.constant 0 : index
    %get3A_4 = vector.load %arg2[%get3A_2, %get3A_3] : memref<2048x256xf32, #tpu.memory_space<vmem>>, vector<2048x256xf32>
    %sub3A = arith.subf %get3A_1, %get3A_4 : vector<2048x256xf32>
    %mul3A = arith.mulf %sub3A, %sub3A : vector<2048x256xf32>
    %reduce_sum3A = vector.shape_cast %mul3A : vector<2048x256xf32> to vector<1x2048x256xf32>
    %reduce_sum3A_5 = arith.constant dense<0.000000e+00> : vector<1xf32>
    %reduce_sum3A_6 = vector.multi_reduction <add>, %reduce_sum3A, %reduce_sum3A_5 [1, 2] : vector<1x2048x256xf32> to vector<1xf32>
    %reduce_sum3A_7 = vector.shape_cast %reduce_sum3A_6 : vector<1xf32> to vector<1x1x1xf32>
    %reduce_sum3A_8 = vector.extract %reduce_sum3A_7[0, 0, 0] : f32 from vector<1x1x1xf32>
    %reshape3A = vector.broadcast %reduce_sum3A_8 : f32 to vector<1x1xf32>
    %eq3A = arith.constant 0 : i32
    %eq3A_9 = arith.cmpi eq, %arg0, %eq3A : i32
    %broadcast_in_dim3A = arith.constant 0.000000e+00 : f32
    %broadcast_in_dim3A_10 = vector.broadcast %broadcast_in_dim3A : f32 to vector<1x1xf32>
    %get3A_11 = arith.constant 0 : index
    %get3A_12 = arith.constant 0 : index
    %get3A_13 = vector.load %arg3[%get3A_11, %get3A_12] : memref<1x1xf32, #tpu.memory_space<vmem>>, vector<1x1xf32>
    %select_n3A = arith.select %eq3A_9, %broadcast_in_dim3A_10, %get3A_13 : vector<1x1xf32>
    %add3A = arith.addf %select_n3A, %reshape3A : vector<1x1xf32>
    %swap3A = arith.constant 0 : index
    %swap3A_14 = arith.constant 0 : index
    %swap3A_15 = vector.load %arg3[%swap3A, %swap3A_14] : memref<1x1xf32, #tpu.memory_space<vmem>>, vector<1x1xf32>
    tpu.vector_store %arg3[%swap3A, %swap3A_14], %add3A {strides = array<i32>} : memref<1x1xf32, #tpu.memory_space<vmem>>, vector<1x1xf32>,
    return
  }
  func.func @transform_0(%arg0: i32) -> (i32, i32) {
    %c0_i32 = arith.constant 0 : i32
    %c0_i32_0 = arith.constant 0 : i32
    return %arg0, %c0_i32 : i32, i32
  }
  func.func @transform_1(%arg0: i32) -> (i32, i32) {
    %c0_i32 = arith.constant 0 : i32
    %c0_i32_0 = arith.constant 0 : i32
    return %arg0, %c0_i32 : i32, i32
  }
  func.func @transform_2(%arg0: i32) -> (i32, i32) {
    %c0_i32 = arith.constant 0 : i32
    %c0_i32_0 = arith.constant 0 : i32
    %c0_i32_1 = arith.constant 0 : i32
    return %c0_i32, %c0_i32_0 : i32, i32
  }
}

</mosaic_0001>

<sc_bundles>
// kernel: kernel.4.cloned.1.call-start
scs
__scs_entry_jumppad:
0x0: {  	(pc) =	sbr.rel $0x88, $3  }
0x1: {  	(tag) =	ssettag $0x0;
	lr =	simm.s32 $0x1  }
0x2: {  	[smem:$0x3F9F] =	sst lr;
	_ =	strace $0xD0000000  }
0x3: {  	_ = 	snop  }
0x4: {  	_ = 	snop  }
0x5: {  	_ = 	snop  }
0x6: {  	_ = 	snop  }
0x7: {  	_ = 	snop  }
__scs_overlays_trampoline_lowered:
0x8: {  	[smem:$0x3FAE] =	sst s0  }
0x9: {  	[smem:$0x3FAF] =	sst s1  }
0xa: {  	[smem:$0x3FB0] =	sst s2  }
0xb: {  	[smem:$0x3FB1] =	sst s3  }
0xc: {  	[smem:$0x3FB2] =	sst s4  }
0xd: {  	[smem:$0x3FB3] =	sst s5  }
0xe: {  	[smem:$0x3FB4] =	sst s6  }
0xf: {  	[smem:$0x3FB5] =	sst s7  }
0x10: {  	[smem:$0x3FB6] =	sst s8  }
0x11: {  	[smem:$0x3FB7] =	sst s9;
	s0 =	simm.s32 @!p0 $0x0  }
0x12: {  	s1 =	sld [smem:$0x3F9D];
	s0 =	simm.s32 @p0 $0x1  }
0x13: {  	[smem:$0x3FB8] =	sst s0;
	s0 =	simm.s32 @!p1 $0x0  }
0x14: {  	s2 =	sld [smem:$0x3F9C];
	s0 =	simm.s32 @p1 $0x1  }
0x15: {  	[smem:$0x3FB9] =	sst s0;
	s0 =	simm.s32 @!p2 $0x0  }
0x16: {  	s3 =	sld [smem:$0x3FDB];
	s0 =	simm.s32 @p2 $0x1  }
0x17: {  	s4 =	simm.s32 $0x1BF5;
	[smem:$0x3FBB] =	sst s0  }
0x18: {  	s0 =	sld [smem:$0x3F9E];
	_ =	swait.ge [sflag:s4], $0x0  }
0x19: {  	s7 =	sld [smem:$0x3F9F]  }
0x1a: {  	s8 =	sadd.s32 $0xFFFFE003, lr  }
0x1b: {  	s9 =	sadd.s32 $0xFFFFFEF7, lr;
	s5 =	simm.s32 $0xFFFFFFFF;
	p2 =	slt.u32 s8, $0xFFFFF086  }
0x1c: {  	p1 =	slt.u32 s9, $0xF7A;
	s5 =	simm.s32 @!p2 $0x0  }
0x1d: {  	s5 =	simm.s32 @p1 $0x1;
	p0 =	seq.s32 s7, s2  }
0x1e: {  	s7 =	smul.u32 @!p0 $0xF7A, s2;
	p2 =	seq.s32 @!p0 s5, $0x0  }
0x1f: {  	s9 =	smul.u32 $0xF7A, s1;
	s8 =	simm.s32 @!p0 $0x1BF5;
	p2 =	por !p2, p0  }
0x20: {  	[sflag:s8] =	ssyncset.s32 @!p0 $0xFFFFF086;
	s6 =	sadd.s32 @!p0 s3, s7;
	s7 =	simm.s32 @!p0 $0x108  }
0x21: {  	s3 =	sadd.s32 s3, s9;
	s6 =	sadd.s32 @!p0 $0x88, s6;
	s7 =	simm.s32 @p2 $0x1082  }
0x22: {  	[simem:s7], [sflag:s8] =	dma.local @!p0 [hbm:s6], $0xF7A  }
0x23: {  	s9 =	sor.u32 $0xD0000000, s2;
	s6 =	simm.s32 $0x108;
	_ =	swait.ge @!p0 [sflag:s8], $0x0  }
0x24: {  	s3 =	sadd.s32 $0x88, s3;
	s6 =	simm.s32 @!p1 $0x1082;
	[sflag:s4] =	ssyncset.s32 $0xFFFFF086  }
0x25: {  	[simem:s6], [sflag:s4] =	dma.local [hbm:s3], $0xF7A  }
0x26: {  	[smem:$0x3F9F] =	sst s1;
	(tag) =	ssettag s2;
	_ =	strace s9  }
0x27: {  	s1 =	sld [smem:$0x3FAF]  }
0x28: {  	s2 =	sld [smem:$0x3FB0]  }
0x29: {  	s4 =	sld [smem:$0x3FB2]  }
0x2a: {  	p0 =	seq.s32 s5, $0x0;
	s5 =	sld [smem:$0x3FB3]  }
0x2b: {  	s6 =	sld [smem:$0x3FB4]  }
0x2c: {  	s7 =	sld [smem:$0x3FB5]  }
0x2d: {  	s3 =	simm.s32 $0x108;
	s8 =	sld [smem:$0x3FB6]  }
0x2e: {  	s3 =	simm.s32 @!p0 $0x1082;
	s9 =	sld [smem:$0x3FB7]  }
0x2f: {  	lr =	sadd.s32 s0, s3;
	s0 =	sld [smem:$0x3FAE]  }
0x30: {  	s3 =	sld [smem:$0x3FB1]  }
0x31: {  	[smem:$0x3FBA] =	sst s10  }
0x32: {  	s10 =	sld [smem:$0x3FB8];
	_ =	sdelay $0x3  }
0x33: {  	p0 =	seq.s32 s10, $0x1;
	s10 =	sld [smem:$0x3FBA];
	_ =	sdelay $0x3  }
0x34: {  	[smem:$0x3FBA] =	sst s10  }
0x35: {  	s10 =	sld [smem:$0x3FB9];
	_ =	sdelay $0x3  }
0x36: {  	p1 =	seq.s32 s10, $0x1;
	s10 =	sld [smem:$0x3FBA];
	_ =	sdelay $0x3  }
0x37: {  	[smem:$0x3FBA] =	sst s10  }
0x38: {  	s10 =	sld [smem:$0x3FBB]  }
0x39: {  	_ = 	snop;
	(pc) =	sbr.ind lr, $3  }
0x3a: {  	_ = 	snop  }
0x3b: {  	_ = 	snop  }
0x3c: {  	p2 =	seq.s32 s10, $0x1;
	s10 =	sld [smem:$0x3FBA]  }
0x3d: {  	_ =	shalt  }
0x3e: {  	_ =	shalt  }
0x3f: {  	_ =	shalt  }
0x40: {  	_ =	shalt  }
0x41: {  	_ =	shalt  }
0x42: {  	_ =	shalt  }
0x43: {  	_ =	shalt  }
0x44: {  	_ =	shalt  }
0x45: {  	_ =	shalt  }
0x46: {  	_ =	shalt  }
0x47: {  	_ =	shalt  }
0x48: {  	_ =	shalt  }
0x49: {  	_ =	shalt  }
0x4a: {  	_ =	shalt  }
0x4b: {  	_ =	shalt  }
0x4c: {  	_ =	shalt  }
0x4d: {  	_ =	shalt  }
0x4e: {  	_ =	shalt  }
0x4f: {  	_ =	shalt  }
0x50: {  	_ =	shalt  }
0x51: {  	_ =	shalt  }
0x52: {  	_ =	shalt  }
0x53: {  	_ =	shalt  }
0x54: {  	_ =	shalt  }
0x55: {  	_ =	shalt  }
0x56: {  	_ =	shalt  }
0x57: {  	_ =	shalt  }
0x58: {  	_ =	shalt  }
0x59: {  	_ =	shalt  }
0x5a: {  	_ =	shalt  }
0x5b: {  	_ =	shalt  }
0x5c: {  	_ =	shalt  }
0x5d: {  	_ =	shalt  }
0x5e: {  	_ =	shalt  }
0x5f: {  	_ =	shalt  }
0x60: {  	_ =	shalt  }
0x61: {  	_ =	shalt  }
0x62: {  	_ =	shalt  }
0x63: {  	_ =	shalt  }
0x64: {  	_ =	shalt  }
0x65: {  	_ =	shalt  }
0x66: {  	_ =	shalt  }
0x67: {  	_ =	shalt  }
0x68: {  	_ =	shalt  }
0x69: {  	_ =	shalt  }
0x6a: {  	_ =	shalt  }
0x6b: {  	_ =	shalt  }
0x6c: {  	_ =	shalt  }
0x6d: {  	_ =	shalt  }
0x6e: {  	_ =	shalt  }
0x6f: {  	_ =	shalt  }
0x70: {  	_ =	shalt  }
0x71: {  	_ =	shalt  }
0x72: {  	_ =	shalt  }
0x73: {  	_ =	shalt  }
0x74: {  	_ =	shalt  }
0x75: {  	_ =	shalt  }
0x76: {  	_ =	shalt  }
0x77: {  	_ =	shalt  }
0x78: {  	_ =	shalt  }
0x79: {  	_ =	shalt  }
0x7a: {  	_ =	shalt  }
0x7b: {  	_ =	shalt  }
0x7c: {  	_ =	shalt  }
0x7d: {  	_ =	shalt  }
0x7e: {  	_ =	shalt  }
0x7f: {  	_ =	shalt  }
0x80: {  	_ =	shalt  }
0x81: {  	_ =	shalt  }
0x82: {  	_ =	shalt  }
0x83: {  	_ =	shalt  }
0x84: {  	_ =	shalt  }
0x85: {  	_ =	shalt  }
0x86: {  	_ =	shalt  }
0x87: {  	_ =	shalt  }
.Lfunc_end0:
.L_simem_size_0:
called_computation_lowered:
.L_overlay_start_0:
0x88: {  	s2 =	sld [smem:$0x3FD9]  }
0x89: {  	s3 =	sld [smem:$0x3FFE];
	_ =	sdelay $0x1  }
0x8a: {  	s1 =	srdreg.scid  }
0x8b: {  	s0 =	sand.u32 $0x1, s1  }
0x8c: {  	s14 =	sshll.u32 s0, $0xA;
	s2 =	sadd.s32 s3, s2  }
0x8d: {  	s2 =	sadd.s32 s2, s14  }
0x8e: {  	[smem:$0x3FC6] =	sst s2  }
0x8f: {  	_ = 	snop  }
0x90: {  	s2 =	sld [smem:$0x3FD0];
	_ =	sdelay $0x2  }
0x91: {  	s15 =	simm.s32 $0xA;
	s4 =	simm.s32 $0x10  }
0x92: {  	[smem:s4], [sflag:s15] =	dma.local [hbm:s2], $0x1  }
0x93: {  	_ =	swait.eq [sflag:s15], $0x1  }
0x94: {  	[sflag:s15] =	ssyncset.done $0x0  }
0x95: {  	[sflag:s15] =	ssyncadd.s32 $0xFFFFFFFF  }
0x96: {  	s16 =	sld [smem:$0x10];
	(tm) =	ssettm $0x1  }
0x97: {  	s17 =	sld [smem:$0x3FFB];
	_ =	sdelay $0x3  }
0x98: {  	_ =	strace s17  }
0x99: {  	s3 =	sld [smem:$0x3FFC];
	_ =	sdelay $0x3  }
0x9a: {  	_ =	strace s3  }
0x9b: {  	s3 =	sld [smem:$0x3FFD];
	_ =	sdelay $0x3  }
0x9c: {  	_ =	strace s3  }
0x9d: {  	_ =	strace $0x8FFFFFFF  }
0x9e: {  	s18 =	sld [smem:$0x3FDB];
	_ =	sdelay $0x1  }
0x9f: {  	s19 =	simm.s32 $_scs_section_size  }
0xa0: {  	s5 =	simm.s32 $_size__tile_overlayer_lowered;
	s6 =	simm.s32 $_tile_overlayer_lowered  }
0xa1: {  	s22 =	simm.s32 $0x1BFF;
	s21 =	sshll.u32 s6, $0x1;
	s3 =	sadd.s32 s19, s18  }
0xa2: {  	s7 =	simm.s32 $0x0;
	s20 =	sshll.u32 s5, $0x1;
	s5 =	sadd.s32 s21, s3  }
0xa3: {  	[timem:s7], [sflag:s22] =	dma.local [hbm:s5], s20  }
0xa4: {  	_ =	swait.ge [sflag:s22], s20  }
0xa5: {  	s4 =	ssub.s32 $0x0, s20;
	[sflag:s22] =	ssyncset.done $0x0  }
0xa6: {  	[sflag:s22] =	ssyncadd.s32 s4;
	_ =	sdelay $0x1  }
0xa7: {  	s23 =	simm.s32 $0x1B8B  }
0xa8: {  	_ =	swait.ge [sflag:s23], $0x1  }
0xa9: {  	[sflag:s23] =	ssyncset.done $0x0  }
0xaa: {  	s25 =	simm.s32 $0x1B8E;
	s24 =	sld [smem:$0x3FFE];
	[sflag:s23] =	ssyncadd.s32 $0xFFFFFFFF  }
0xab: {  	s26 =	simm.s32 $execute0_lowered;
	[smem:$0x3FD2] =	sst s25  }
0xac: {  	s5 =	sshll.u32 s26, $0x1;
	_ =	strace $0x80000046;
	[dreg:$0x1] =	wrdreg $0xFFFFFFFF  }
0xad: {  	s28 =	simm.s32 $_size_execute0_lowered;
	s3 =	sadd.s32 s3, s5;
	[dreg:$0x0] =	wrdreg $0x0  }
0xae: {  	s5 =	sshll.u32 s28, $0x1;
	[dreg:$0x2] =	wrdreg s3  }
0xaf: {  	[dreg:$0x3] =	wrdreg s5  }
0xb0: {  	[dreg:$0x4] =	wrdreg $0xC0  }
0xb1: {  	_ =	task [dreg:s7], $0x5FFFF  }
0xb2: {  	[dreg:$0x1] =	wrdreg $0xFFFFFFFF  }
0xb3: {  	[dreg:$0x0] =	wrdreg $0x60  }
0xb4: {  	[dreg:$0x2] =	wrdreg s24  }
0xb5: {  	[dreg:$0x3] =	wrdreg s16  }
0xb6: {  	[dreg:$0x4] =	wrdreg $0x9  }
0xb7: {  	_ =	task.clear_ibuf [dreg:s7], $0x5FFFF;
	_ =	strace $0x90000046  }
0xb8: {  	s29 =	simm.s32 $0x9;
	_ =	strace $0x80000048  }
0xb9: {  	_ =	swait.ge [sflag:s29], $0x1  }
0xba: {  	[sflag:s29] =	ssyncadd.s32 $0xFFFFFFFF  }
0xbb: {  	_ =	strace $0x90000048  }
0xbc: {  	_ =	sfence  }
0xbd: {  	s30 =	sld [smem:$0x0];
	_ =	sdelay $0x2  }
0xbe: {  	s31 =	sshll.u32 s1, $0xD;
	s1 =	sshrl.u32 s1, $0x2  }
0xbf: {  	s3 =	sand.u32 $0x4000, s31;
	s1 =	sadd.s32 s1, s30  }
0xc0: {  	s0 =	sor.u32 s3, s0;
	s1 =	sshll.u32 s1, $0x11  }
0xc1: {  	s0 =	sor.u32 s1, s0  }
0xc2: {  	s0 =	sadd.s32 $0x8F2B, s0  }
0xc3: {  	[sflag:s0] =	ssyncadd.remote.s32 $0x1  }
0xc4: {  	_ =	sfence.sel $0xFFFF  }
0xc5: {  	[dreg:$0x0] =	wrdreg $0xFFFFFFFF;
	(pc) =	sbr.abs _section_cstart, $3  }
0xc6: {  	[dreg:$0x1] =	wrdreg $0xFFFFFFFF  }
0xc7: {  	_ =	task.clear_ibuf [dreg:s7], $0x2FFFF;
	_ =	strace $0x9FFFFFFF  }
0xc8: {  	(tm) =	ssettm $0x7FFFFFFF  }
0xc9: {  	_ =	shalt  }
tec
execute0_lowered:
.L_overlay_start_1:
0x0: {  	(tag) =	ssettag $0x1  }
0x1: {  	s1 =	rddreg [dreg:$0x0]  }
0x2: {  	s0 =	rddreg [dreg:$0x1];
	s2 =	srdreg.scid;
	s3 =	simm.s32 $0x0  }
0x3: {  	s4 =	stileid.u32;
	s12 =	simm.s32 $0x1;
	s14 =	simm.s32 $0x900  }
0x4: {  	s15 =	simm.s32 $0x1100;
	s16 =	simm.s32 $0x1900;
	s17 =	simm.s32 $0x2100  }
0x5: {  	s18 =	simm.s32 $0x2900;
	s19 =	simm.s32 $0x3100;
	s20 =	simm.s32 $0x3900  }
0x6: {  	s21 =	simm.s32 $0x4100;
	s22 =	simm.s32 $0x4900;
	s23 =	simm.s32 $0x5100  }
0x7: {  	s28 =	simm.s32 $0x7100;
	s29 =	simm.s32 $0x7900;
	s30 =	simm.s32 $0x8100  }
0x8: {  	s31 =	simm.s32 $0x8900;
	s9 =	simm.s32 $0xB100;
	s10 =	simm.s32 $0xB900  }
0x9: {  	s11 =	simm.s32 $0xC100;
	s2 =	sand.u32 $0x1, s2;
	[smem:$0x7FF] =	sst s3  }
0xa: {  	s4 =	sshll.u32 s4, $0xA;
	s24 =	sadd.s32 $0x40000, s1;
	s5 =	sshll.u32 s2, $0x9  }
0xb: {  	_ =	strace $0x80000047;
	s2 =	ssub.s32 $0x2, s2;
	s4 =	sor.u32 s5, s4  }
0xc: {  	s6 =	sshrl.u32 s2, $0x1;
	s7 =	sshrl.u32 s4, $0x3;
	s8 =	sshll.u32 s4, $0x5  }
0xd: {  	s4 =	sor.u32 $0x100, s4;
	s2 =	ssub.s32 s2, s6;
	s6 =	simm.s32 $0xC900  }
0xe: {  	s7 =	sadd.s32 s24, s7;
	s25 =	sadd.s32 s0, s8;
	s26 =	sshrl.u32 s4, $0x3  }
0xf: {  	s4 =	sshll.u32 s4, $0x5;
	s8 =	simm.s32 $0xA900;
	[dreg:$0x3] =	wrdreg s7  }
0x10: {  	[dreg:$0x4] =	wrdreg s25;
	s5 =	sadd.s32 s24, s26;
	s0 =	sadd.s32 s0, s4  }
0x11: {  	v2 =	vlaneseq.u32;
	s4 =	smax.u32 s2, $0x1;
	s24 =	simm.s32 $0x5900;
	s25 =	simm.s32 $0x6100  }
0x12: {  	vm0 =	vmmov $0xffff;
	v1 =	vshrl.u32 v2, $0x3;
	s26 =	simm.s32 $0x6900;
	s2 =	simm.s32 $0x9900;
	[dreg:$0x5] =	wrdreg s5  }
0x13: {  	v0 =	vand.u32 $0x7, v2;
	v2 =	vor.u32 $0x8, v2;
	v1 =	vmul.u32 $0x8, v1;
	s7 =	simm.s32 $0xA100;
	[dreg:$0x6] =	wrdreg s0;
	s5 =	simm.s32 $0x2  }
.LBB2_1:
0x14: {  	s13 =	rddreg [dreg:$0x3]  }
0x15: {  	[tilespmem:s3], [sflag:$0x2] =	stream.linear.gather [hbm4b:s13+s3], $0x100, $0x38;
	[tilespmem:$0x10100] =	vst v63  }
0x16: {  	_ =	swait.ge [sflag:s5], $0x100  }
0x17: {  	[sflag:s5] =	ssyncset.done $0x0  }
0x18: {  	[sflag:s5] =	ssyncadd.s32 $0xFFFFFF00  }
0x19: {  	v3 =	vld [tilespmem:$0x0];
	_ =	sdelay $0x4  }
0x1a: {  	v4 =	vshll.u32 v3, $0x1  }
0x1b: {  	v3 =	vand.u32 $0x7, v3;
	v4 =	vand.u32 $0xFFFFFFF0, v4  }
0x1c: {  	v3 =	vor.u32 v3, v4  }
0x1d: {  	v4 =	vperm.xlane v3, v0;
	_ =	sdelay $0x1  }
0x1e: {  	v3 =	vperm.xlane v3, v2;
	v4 =	vadd.s32 v1, v4;
	_ =	sdelay $0x1  }
0x1f: {  	v3 =	vadd.s32 v1, v3;
	_ =	sdelay $0x1  }
0x20: {  	s0 =	simm.s32 $0x100  }
0x21: {  	[tilespmem:s0], [sflag:$0x1] =	stream.indirect_vreg.gather [hbm4b:s1+s3], $0x80, v4, vm0, $0xb8;
	[tilespmem:$0x10100] =	vst v63  }
0x22: {  	_ = 	snop  }
0x23: {  	[tilespmem:s14], [sflag:$0x1] =	stream.indirect_vreg.gather [hbm4b:s1+s3], $0x80, v3, vm0, $0xb8;
	[tilespmem:$0x10100] =	vst v63  }
0x24: {  	v3 =	vld [tilespmem:$0x10];
	_ =	sdelay $0x4  }
0x25: {  	v33 =	vshll.u32 v3, $0x1  }
0x26: {  	v3 =	vand.u32 $0x7, v3;
	v4 =	vand.u32 $0xFFFFFFF0, v33  }
0x27: {  	v3 =	vor.u32 v3, v4  }
0x28: {  	v4 =	vperm.xlane v3, v0;
	_ =	sdelay $0x1  }
0x29: {  	v3 =	vperm.xlane v3, v2;
	v4 =	vadd.s32 v1, v4;
	_ =	sdelay $0x1  }
0x2a: {  	v3 =	vadd.s32 v1, v3;
	_ =	sdelay $0x2  }
0x2b: {  	[tilespmem:s15], [sflag:$0x1] =	stream.indirect_vreg.gather [hbm4b:s1+s3], $0x80, v4, vm0, $0xb8;
	[tilespmem:$0x10100] =	vst v63  }
0x2c: {  	_ = 	snop  }
0x2d: {  	[tilespmem:s16], [sflag:$0x1] =	stream.indirect_vreg.gather [hbm4b:s1+s3], $0x80, v3, vm0, $0xb8;
	[tilespmem:$0x10100] =	vst v63  }
0x2e: {  	v3 =	vld [tilespmem:$0x20];
	_ =	sdelay $0x4  }
0x2f: {  	v34 =	vshll.u32 v3, $0x1  }
0x30: {  	v3 =	vand.u32 $0x7, v3;
	v4 =	vand.u32 $0xFFFFFFF0, v34  }
0x31: {  	v3 =	vor.u32 v3, v4  }
0x32: {  	v4 =	vperm.xlane v3, v0;
	_ =	sdelay $0x1  }
0x33: {  	v3 =	vperm.xlane v3, v2;
	v4 =	vadd.s32 v1, v4;
	_ =	sdelay $0x1  }
0x34: {  	v3 =	vadd.s32 v1, v3;
	_ =	sdelay $0x2  }
0x35: {  	[tilespmem:s17], [sflag:$0x1] =	stream.indirect_vreg.gather [hbm4b:s1+s3], $0x80, v4, vm0, $0xb8;
	[tilespmem:$0x10100] =	vst v63  }
0x36: {  	_ = 	snop  }
0x37: {  	[tilespmem:s18], [sflag:$0x1] =	stream.indirect_vreg.gather [hbm4b:s1+s3], $0x80, v3, vm0, $0xb8;
	[tilespmem:$0x10100] =	vst v63  }
0x38: {  	v3 =	vld [tilespmem:$0x30];
	_ =	sdelay $0x4  }
0x39: {  	v35 =	vshll.u32 v3, $0x1  }
0x3a: {  	v3 =	vand.u32 $0x7, v3;
	v4 =	vand.u32 $0xFFFFFFF0, v35  }
0x3b: {  	v3 =	vor.u32 v3, v4  }
0x3c: {  	v4 =	vperm.xlane v3, v0;
	_ =	sdelay $0x1  }
0x3d: {  	v3 =	vperm.xlane v3, v2;
	v4 =	vadd.s32 v1, v4;
	_ =	sdelay $0x1  }
0x3e: {  	v3 =	vadd.s32 v1, v3;
	_ =	sdelay $0x2  }
0x3f: {  	[tilespmem:s19], [sflag:$0x1] =	stream.indirect_vreg.gather [hbm4b:s1+s3], $0x80, v4, vm0, $0xb8;
	[tilespmem:$0x10100] =	vst v63  }
0x40: {  	_ = 	snop  }
0x41: {  	[tilespmem:s20], [sflag:$0x1] =	stream.indirect_vreg.gather [hbm4b:s1+s3], $0x80, v3, vm0, $0xb8;
	[tilespmem:$0x10100] =	vst v63  }
0x42: {  	v3 =	vld [tilespmem:$0x40];
	_ =	sdelay $0x4  }
0x43: {  	v36 =	vshll.u32 v3, $0x1  }
0x44: {  	v3 =	vand.u32 $0x7, v3;
	v4 =	vand.u32 $0xFFFFFFF0, v36  }
0x45: {  	v3 =	vor.u32 v3, v4  }
0x46: {  	v4 =	vperm.xlane v3, v0;
	_ =	sdelay $0x1  }
0x47: {  	v3 =	vperm.xlane v3, v2;
	v4 =	vadd.s32 v1, v4;
	_ =	sdelay $0x1  }
0x48: {  	v3 =	vadd.s32 v1, v3;
	_ =	sdelay $0x2  }
0x49: {  	[tilespmem:s21], [sflag:$0x1] =	stream.indirect_vreg.gather [hbm4b:s1+s3], $0x80, v4, vm0, $0xb8;
	[tilespmem:$0x10100] =	vst v63  }
0x4a: {  	_ = 	snop  }
0x4b: {  	[tilespmem:s22], [sflag:$0x1] =	stream.indirect_vreg.gather [hbm4b:s1+s3], $0x80, v3, vm0, $0xb8;
	[tilespmem:$0x10100] =	vst v63  }
0x4c: {  	v3 =	vld [tilespmem:$0x50];
	_ =	sdelay $0x4  }
0x4d: {  	v37 =	vshll.u32 v3, $0x1  }
0x4e: {  	v3 =	vand.u32 $0x7, v3;
	v4 =	vand.u32 $0xFFFFFFF0, v37  }
0x4f: {  	v3 =	vor.u32 v3, v4  }
0x50: {  	v4 =	vperm.xlane v3, v0;
	_ =	sdelay $0x1  }
0x51: {  	v3 =	vperm.xlane v3, v2;
	v4 =	vadd.s32 v1, v4;
	_ =	sdelay $0x1  }
0x52: {  	v3 =	vadd.s32 v1, v3;
	_ =	sdelay $0x2  }
0x53: {  	[tilespmem:s23], [sflag:$0x1] =	stream.indirect_vreg.gather [hbm4b:s1+s3], $0x80, v4, vm0, $0xb8;
	[tilespmem:$0x10100] =	vst v63  }
0x54: {  	_ = 	snop  }
0x55: {  	[tilespmem:s24], [sflag:$0x1] =	stream.indirect_vreg.gather [hbm4b:s1+s3], $0x80, v3, vm0, $0xb8;
	[tilespmem:$0x10100] =	vst v63  }
0x56: {  	v3 =	vld [tilespmem:$0x60];
	_ =	sdelay $0x4  }
0x57: {  	v38 =	vshll.u32 v3, $0x1  }
0x58: {  	v3 =	vand.u32 $0x7, v3;
	v4 =	vand.u32 $0xFFFFFFF0, v38  }
0x59: {  	v3 =	vor.u32 v3, v4  }
0x5a: {  	v4 =	vperm.xlane v3, v0;
	_ =	sdelay $0x1  }
0x5b: {  	v3 =	vperm.xlane v3, v2;
	v4 =	vadd.s32 v1, v4;
	_ =	sdelay $0x1  }
0x5c: {  	v3 =	vadd.s32 v1, v3;
	_ =	sdelay $0x2  }
0x5d: {  	[tilespmem:s25], [sflag:$0x1] =	stream.indirect_vreg.gather [hbm4b:s1+s3], $0x80, v4, vm0, $0xb8;
	[tilespmem:$0x10100] =	vst v63  }
0x5e: {  	_ = 	snop  }
0x5f: {  	[tilespmem:s26], [sflag:$0x1] =	stream.indirect_vreg.gather [hbm4b:s1+s3], $0x80, v3, vm0, $0xb8;
	[tilespmem:$0x10100] =	vst v63  }
0x60: {  	v3 =	vld [tilespmem:$0x70];
	_ =	sdelay $0x4  }
0x61: {  	v39 =	vshll.u32 v3, $0x1  }
0x62: {  	v3 =	vand.u32 $0x7, v3;
	v4 =	vand.u32 $0xFFFFFFF0, v39  }
0x63: {  	v3 =	vor.u32 v3, v4  }
0x64: {  	v4 =	vperm.xlane v3, v0;
	_ =	sdelay $0x1  }
0x65: {  	v3 =	vperm.xlane v3, v2;
	v4 =	vadd.s32 v1, v4;
	_ =	sdelay $0x1  }
0x66: {  	v3 =	vadd.s32 v1, v3;
	_ =	sdelay $0x2  }
0x67: {  	[tilespmem:s28], [sflag:$0x1] =	stream.indirect_vreg.gather [hbm4b:s1+s3], $0x80, v4, vm0, $0xb8;
	[tilespmem:$0x10100] =	vst v63  }
0x68: {  	_ = 	snop  }
0x69: {  	[tilespmem:s29], [sflag:$0x1] =	stream.indirect_vreg.gather [hbm4b:s1+s3], $0x80, v3, vm0, $0xb8;
	[tilespmem:$0x10100] =	vst v63  }
0x6a: {  	v3 =	vld [tilespmem:$0x80];
	_ =	sdelay $0x4  }
0x6b: {  	v40 =	vshll.u32 v3, $0x1  }
0x6c: {  	v3 =	vand.u32 $0x7, v3;
	v4 =	vand.u32 $0xFFFFFFF0, v40  }
0x6d: {  	v3 =	vor.u32 v3, v4  }
0x6e: {  	v4 =	vperm.xlane v3, v0;
	_ =	sdelay $0x1  }
0x6f: {  	v3 =	vperm.xlane v3, v2;
	v4 =	vadd.s32 v1, v4;
	_ =	sdelay $0x1  }
0x70: {  	v3 =	vadd.s32 v1, v3;
	_ =	sdelay $0x2  }
0x71: {  	[tilespmem:s30], [sflag:$0x1] =	stream.indirect_vreg.gather [hbm4b:s1+s3], $0x80, v4, vm0, $0xb8;
	[tilespmem:$0x10100] =	vst v63  }
0x72: {  	_ = 	snop  }
0x73: {  	[tilespmem:s31], [sflag:$0x1] =	stream.indirect_vreg.gather [hbm4b:s1+s3], $0x80, v3, vm0, $0xb8;
	[tilespmem:$0x10100] =	vst v63  }
0x74: {  	v3 =	vld [tilespmem:$0x90];
	_ =	sdelay $0x4  }
0x75: {  	v41 =	vshll.u32 v3, $0x1  }
0x76: {  	v3 =	vand.u32 $0x7, v3;
	v4 =	vand.u32 $0xFFFFFFF0, v41  }
0x77: {  	v3 =	vor.u32 v3, v4  }
0x78: {  	v4 =	vperm.xlane v3, v0;
	_ =	sdelay $0x1  }
0x79: {  	v3 =	vperm.xlane v3, v2;
	v4 =	vadd.s32 v1, v4;
	_ =	sdelay $0x1  }
0x7a: {  	v3 =	vadd.s32 v1, v3;
	_ =	sdelay $0x1  }
0x7b: {  	s13 =	simm.s32 $0x9100  }
0x7c: {  	[tilespmem:s13], [sflag:$0x1] =	stream.indirect_vreg.gather [hbm4b:s1+s3], $0x80, v4, vm0, $0xb8;
	[tilespmem:$0x10100] =	vst v63  }
0x7d: {  	_ = 	snop  }
0x7e: {  	[tilespmem:s2], [sflag:$0x1] =	stream.indirect_vreg.gather [hbm4b:s1+s3], $0x80, v3, vm0, $0xb8;
	[tilespmem:$0x10100] =	vst v63  }
0x7f: {  	v3 =	vld [tilespmem:$0xA0];
	_ =	sdelay $0x4  }
0x80: {  	v42 =	vshll.u32 v3, $0x1  }
0x81: {  	v3 =	vand.u32 $0x7, v3;
	v4 =	vand.u32 $0xFFFFFFF0, v42  }
0x82: {  	v3 =	vor.u32 v3, v4  }
0x83: {  	v4 =	vperm.xlane v3, v0;
	_ =	sdelay $0x1  }
0x84: {  	v3 =	vperm.xlane v3, v2;
	v4 =	vadd.s32 v1, v4;
	_ =	sdelay $0x1  }
0x85: {  	v3 =	vadd.s32 v1, v3;
	_ =	sdelay $0x2  }
0x86: {  	[tilespmem:s7], [sflag:$0x1] =	stream.indirect_vreg.gather [hbm4b:s1+s3], $0x80, v4, vm0, $0xb8;
	[tilespmem:$0x10100] =	vst v63  }
0x87: {  	_ = 	snop  }
0x88: {  	[tilespmem:s8], [sflag:$0x1] =	stream.indirect_vreg.gather [hbm4b:s1+s3], $0x80, v3, vm0, $0xb8;
	[tilespmem:$0x10100] =	vst v63  }
0x89: {  	v3 =	vld [tilespmem:$0xB0];
	_ =	sdelay $0x4  }
0x8a: {  	v43 =	vshll.u32 v3, $0x1  }
0x8b: {  	v3 =	vand.u32 $0x7, v3;
	v4 =	vand.u32 $0xFFFFFFF0, v43  }
0x8c: {  	v3 =	vor.u32 v3, v4  }
0x8d: {  	v4 =	vperm.xlane v3, v0;
	_ =	sdelay $0x1  }
0x8e: {  	v3 =	vperm.xlane v3, v2;
	v4 =	vadd.s32 v1, v4;
	_ =	sdelay $0x1  }
0x8f: {  	v3 =	vadd.s32 v1, v3;
	_ =	sdelay $0x2  }
0x90: {  	[tilespmem:s9], [sflag:$0x1] =	stream.indirect_vreg.gather [hbm4b:s1+s3], $0x80, v4, vm0, $0xb8;
	[tilespmem:$0x10100] =	vst v63  }
0x91: {  	_ = 	snop  }
0x92: {  	[tilespmem:s10], [sflag:$0x1] =	stream.indirect_vreg.gather [hbm4b:s1+s3], $0x80, v3, vm0, $0xb8;
	[tilespmem:$0x10100] =	vst v63  }
0x93: {  	v3 =	vld [tilespmem:$0xC0];
	_ =	sdelay $0x4  }
0x94: {  	v44 =	vshll.u32 v3, $0x1  }
0x95: {  	v3 =	vand.u32 $0x7, v3;
	v4 =	vand.u32 $0xFFFFFFF0, v44  }
0x96: {  	v3 =	vor.u32 v3, v4  }
0x97: {  	v4 =	vperm.xlane v3, v0;
	_ =	sdelay $0x1  }
0x98: {  	v3 =	vperm.xlane v3, v2;
	v4 =	vadd.s32 v1, v4;
	_ =	sdelay $0x1  }
0x99: {  	v3 =	vadd.s32 v1, v3;
	_ =	sdelay $0x2  }
0x9a: {  	[tilespmem:s11], [sflag:$0x1] =	stream.indirect_vreg.gather [hbm4b:s1+s3], $0x80, v4, vm0, $0xb8;
	[tilespmem:$0x10100] =	vst v63  }
0x9b: {  	_ = 	snop  }
0x9c: {  	[tilespmem:s6], [sflag:$0x1] =	stream.indirect_vreg.gather [hbm4b:s1+s3], $0x80, v3, vm0, $0xb8;
	[tilespmem:$0x10100] =	vst v63  }
0x9d: {  	v3 =	vld [tilespmem:$0xD0];
	_ =	sdelay $0x4  }
0x9e: {  	v45 =	vshll.u32 v3, $0x1  }
0x9f: {  	v3 =	vand.u32 $0x7, v3;
	v4 =	vand.u32 $0xFFFFFFF0, v45  }
0xa0: {  	v3 =	vor.u32 v3, v4  }
0xa1: {  	v4 =	vperm.xlane v3, v0;
	_ =	sdelay $0x1  }
0xa2: {  	v3 =	vperm.xlane v3, v2;
	v4 =	vadd.s32 v1, v4;
	_ =	sdelay $0x1  }
0xa3: {  	v3 =	vadd.s32 v1, v3;
	_ =	sdelay $0x1  }
0xa4: {  	s13 =	simm.s32 $0xD100  }
0xa5: {  	[tilespmem:s13], [sflag:$0x1] =	stream.indirect_vreg.gather [hbm4b:s1+s3], $0x80, v4, vm0, $0xb8;
	[tilespmem:$0x10100] =	vst v63  }
0xa6: {  	s13 =	simm.s32 $0xD900  }
0xa7: {  	[tilespmem:s13], [sflag:$0x1] =	stream.indirect_vreg.gather [hbm4b:s1+s3], $0x80, v3, vm0, $0xb8;
	[tilespmem:$0x10100] =	vst v63  }
0xa8: {  	v3 =	vld [tilespmem:$0xE0];
	_ =	sdelay $0x4  }
0xa9: {  	v46 =	vshll.u32 v3, $0x1  }
0xaa: {  	v3 =	vand.u32 $0x7, v3;
	v4 =	vand.u32 $0xFFFFFFF0, v46  }
0xab: {  	v3 =	vor.u32 v3, v4  }
0xac: {  	v4 =	vperm.xlane v3, v0;
	_ =	sdelay $0x1  }
0xad: {  	v3 =	vperm.xlane v3, v2;
	v4 =	vadd.s32 v1, v4;
	_ =	sdelay $0x1  }
0xae: {  	v3 =	vadd.s32 v1, v3;
	_ =	sdelay $0x1  }
0xaf: {  	s13 =	simm.s32 $0xE100  }
0xb0: {  	[tilespmem:s13], [sflag:$0x1] =	stream.indirect_vreg.gather [hbm4b:s1+s3], $0x80, v4, vm0, $0xb8;
	[tilespmem:$0x10100] =	vst v63  }
0xb1: {  	s13 =	simm.s32 $0xE900  }
0xb2: {  	[tilespmem:s13], [sflag:$0x1] =	stream.indirect_vreg.gather [hbm4b:s1+s3], $0x80, v3, vm0, $0xb8;
	[tilespmem:$0x10100] =	vst v63  }
0xb3: {  	v3 =	vld [tilespmem:$0xF0];
	_ =	sdelay $0x4  }
0xb4: {  	v47 =	vshll.u32 v3, $0x1  }
0xb5: {  	v3 =	vand.u32 $0x7, v3;
	v4 =	vand.u32 $0xFFFFFFF0, v47  }
0xb6: {  	v3 =	vor.u32 v3, v4  }
0xb7: {  	v4 =	vperm.xlane v3, v0;
	_ =	sdelay $0x1  }
0xb8: {  	v3 =	vperm.xlane v3, v2;
	v4 =	vadd.s32 v1, v4;
	_ =	sdelay $0x1  }
0xb9: {  	v3 =	vadd.s32 v1, v3;
	_ =	sdelay $0x1  }
0xba: {  	s13 =	simm.s32 $0xF100  }
0xbb: {  	[tilespmem:s13], [sflag:$0x1] =	stream.indirect_vreg.gather [hbm4b:s1+s3], $0x80, v4, vm0, $0xb8;
	[tilespmem:$0x10100] =	vst v63  }
0xbc: {  	s13 =	simm.s32 $0xF900  }
0xbd: {  	[tilespmem:s13], [sflag:$0x1] =	stream.indirect_vreg.gather [hbm4b:s1+s3], $0x80, v3, vm0, $0xb8;
	[tilespmem:$0x10100] =	vst v63  }
0xbe: {  	_ =	swait.ge [sflag:s12], $0x10000  }
0xbf: {  	[sflag:s12] =	ssyncset.done $0x0  }
0xc0: {  	s0 =	simm.s32 $0x100;
	s13 =	rddreg [dreg:$0x4];
	[sflag:s12] =	ssyncadd.s32 $0xFFFF0000  }
0xc1: {  	[hbm4b:s13+s3] =	stream.linear.scatter [tilespmem:s0], [sflag:$0x2], $0x10000, $0x38;
	[tilespmem:$0x10100] =	vst v63  }
0xc2: {  	_ =	swait.ge [sflag:s5], $0x10000  }
0xc3: {  	[sflag:s5] =	ssyncset.done $0x0  }
0xc4: {  	s13 =	rddreg [dreg:$0x5];
	[sflag:s5] =	ssyncadd.s32 $0xFFFF0000  }
0xc5: {  	[tilespmem:s3], [sflag:$0x2] =	stream.linear.gather [hbm4b:s13+s3], $0x100, $0x38;
	[tilespmem:$0x10100] =	vst v63  }
0xc6: {  	_ =	swait.ge [sflag:s5], $0x100  }
0xc7: {  	[sflag:s5] =	ssyncset.done $0x0  }
0xc8: {  	[sflag:s5] =	ssyncadd.s32 $0xFFFFFF00  }
0xc9: {  	v3 =	vld [tilespmem:$0x0];
	_ =	sdelay $0x4  }
0xca: {  	v48 =	vshll.u32 v3, $0x1  }
0xcb: {  	v3 =	vand.u32 $0x7, v3;
	v4 =	vand.u32 $0xFFFFFFF0, v48  }
0xcc: {  	v3 =	vor.u32 v3, v4  }
0xcd: {  	v4 =	vperm.xlane v3, v0;
	_ =	sdelay $0x1  }
0xce: {  	v3 =	vperm.xlane v3, v2;
	v4 =	vadd.s32 v1, v4;
	_ =	sdelay $0x1  }
0xcf: {  	v3 =	vadd.s32 v1, v3;
	_ =	sdelay $0x2  }
0xd0: {  	[tilespmem:s0], [sflag:$0x1] =	stream.indirect_vreg.gather [hbm4b:s1+s3], $0x80, v4, vm0, $0xb8;
	[tilespmem:$0x10100] =	vst v63  }
0xd1: {  	_ = 	snop  }
0xd2: {  	[tilespmem:s14], [sflag:$0x1] =	stream.indirect_vreg.gather [hbm4b:s1+s3], $0x80, v3, vm0, $0xb8;
	[tilespmem:$0x10100] =	vst v63  }
0xd3: {  	v3 =	vld [tilespmem:$0x10];
	_ =	sdelay $0x4  }
0xd4: {  	v49 =	vshll.u32 v3, $0x1  }
0xd5: {  	v3 =	vand.u32 $0x7, v3;
	v4 =	vand.u32 $0xFFFFFFF0, v49  }
0xd6: {  	v3 =	vor.u32 v3, v4  }
0xd7: {  	v4 =	vperm.xlane v3, v0;
	_ =	sdelay $0x1  }
0xd8: {  	v3 =	vperm.xlane v3, v2;
	v4 =	vadd.s32 v1, v4;
	_ =	sdelay $0x1  }
0xd9: {  	v3 =	vadd.s32 v1, v3;
	_ =	sdelay $0x2  }
0xda: {  	[tilespmem:s15], [sflag:$0x1] =	stream.indirect_vreg.gather [hbm4b:s1+s3], $0x80, v4, vm0, $0xb8;
	[tilespmem:$0x10100] =	vst v63  }
0xdb: {  	_ = 	snop  }
0xdc: {  	[tilespmem:s16], [sflag:$0x1] =	stream.indirect_vreg.gather [hbm4b:s1+s3], $0x80, v3, vm0, $0xb8;
	[tilespmem:$0x10100] =	vst v63  }
0xdd: {  	v3 =	vld [tilespmem:$0x20];
	_ =	sdelay $0x4  }
0xde: {  	v50 =	vshll.u32 v3, $0x1  }
0xdf: {  	v3 =	vand.u32 $0x7, v3;
	v4 =	vand.u32 $0xFFFFFFF0, v50  }
0xe0: {  	v3 =	vor.u32 v3, v4  }
0xe1: {  	v4 =	vperm.xlane v3, v0;
	_ =	sdelay $0x1  }
0xe2: {  	v3 =	vperm.xlane v3, v2;
	v4 =	vadd.s32 v1, v4;
	_ =	sdelay $0x1  }
0xe3: {  	v3 =	vadd.s32 v1, v3;
	_ =	sdelay $0x2  }
0xe4: {  	[tilespmem:s17], [sflag:$0x1] =	stream.indirect_vreg.gather [hbm4b:s1+s3], $0x80, v4, vm0, $0xb8;
	[tilespmem:$0x10100] =	vst v63  }
0xe5: {  	_ = 	snop  }
0xe6: {  	[tilespmem:s18], [sflag:$0x1] =	stream.indirect_vreg.gather [hbm4b:s1+s3], $0x80, v3, vm0, $0xb8;
	[tilespmem:$0x10100] =	vst v63  }
0xe7: {  	v3 =	vld [tilespmem:$0x30];
	_ =	sdelay $0x4  }
0xe8: {  	v51 =	vshll.u32 v3, $0x1  }
0xe9: {  	v3 =	vand.u32 $0x7, v3;
	v4 =	vand.u32 $0xFFFFFFF0, v51  }
0xea: {  	v3 =	vor.u32 v3, v4  }
0xeb: {  	v4 =	vperm.xlane v3, v0;
	_ =	sdelay $0x1  }
0xec: {  	v3 =	vperm.xlane v3, v2;
	v4 =	vadd.s32 v1, v4;
	_ =	sdelay $0x1  }
0xed: {  	v3 =	vadd.s32 v1, v3;
	_ =	sdelay $0x2  }
0xee: {  	[tilespmem:s19], [sflag:$0x1] =	stream.indirect_vreg.gather [hbm4b:s1+s3], $0x80, v4, vm0, $0xb8;
	[tilespmem:$0x10100] =	vst v63  }
0xef: {  	_ = 	snop  }
0xf0: {  	[tilespmem:s20], [sflag:$0x1] =	stream.indirect_vreg.gather [hbm4b:s1+s3], $0x80, v3, vm0, $0xb8;
	[tilespmem:$0x10100] =	vst v63  }
0xf1: {  	v3 =	vld [tilespmem:$0x40];
	_ =	sdelay $0x4  }
0xf2: {  	v52 =	vshll.u32 v3, $0x1  }
0xf3: {  	v3 =	vand.u32 $0x7, v3;
	v4 =	vand.u32 $0xFFFFFFF0, v52  }
0xf4: {  	v3 =	vor.u32 v3, v4  }
0xf5: {  	v4 =	vperm.xlane v3, v0;
	_ =	sdelay $0x1  }
0xf6: {  	v3 =	vperm.xlane v3, v2;
	v4 =	vadd.s32 v1, v4;
	_ =	sdelay $0x1  }
0xf7: {  	v3 =	vadd.s32 v1, v3;
	_ =	sdelay $0x2  }
0xf8: {  	[tilespmem:s21], [sflag:$0x1] =	stream.indirect_vreg.gather [hbm4b:s1+s3], $0x80, v4, vm0, $0xb8;
	[tilespmem:$0x10100] =	vst v63  }
0xf9: {  	_ = 	snop  }
0xfa: {  	[tilespmem:s22], [sflag:$0x1] =	stream.indirect_vreg.gather [hbm4b:s1+s3], $0x80, v3, vm0, $0xb8;
	[tilespmem:$0x10100] =	vst v63  }
0xfb: {  	v3 =	vld [tilespmem:$0x50];
	_ =	sdelay $0x4  }
0xfc: {  	v53 =	vshll.u32 v3, $0x1  }
0xfd: {  	v3 =	vand.u32 $0x7, v3;
	v4 =	vand.u32 $0xFFFFFFF0, v53  }
0xfe: {  	v3 =	vor.u32 v3, v4  }
0xff: {  	v4 =	vperm.xlane v3, v0;
	_ =	sdelay $0x1  }
0x100: {  	v3 =	vperm.xlane v3, v2;
	v4 =	vadd.s32 v1, v4;
	_ =	sdelay $0x1  }
0x101: {  	v3 =	vadd.s32 v1, v3;
	_ =	sdelay $0x2  }
0x102: {  	[tilespmem:s23], [sflag:$0x1] =	stream.indirect_vreg.gather [hbm4b:s1+s3], $0x80, v4, vm0, $0xb8;
	[tilespmem:$0x10100] =	vst v63  }
0x103: {  	_ = 	snop  }
0x104: {  	[tilespmem:s24], [sflag:$0x1] =	stream.indirect_vreg.gather [hbm4b:s1+s3], $0x80, v3, vm0, $0xb8;
	[tilespmem:$0x10100] =	vst v63  }
0x105: {  	v3 =	vld [tilespmem:$0x60];
	_ =	sdelay $0x4  }
0x106: {  	v54 =	vshll.u32 v3, $0x1  }
0x107: {  	v3 =	vand.u32 $0x7, v3;
	v4 =	vand.u32 $0xFFFFFFF0, v54  }
0x108: {  	v3 =	vor.u32 v3, v4  }
0x109: {  	v4 =	vperm.xlane v3, v0;
	_ =	sdelay $0x1  }
0x10a: {  	v3 =	vperm.xlane v3, v2;
	v4 =	vadd.s32 v1, v4;
	_ =	sdelay $0x1  }
0x10b: {  	v3 =	vadd.s32 v1, v3;
	_ =	sdelay $0x2  }
0x10c: {  	[tilespmem:s25], [sflag:$0x1] =	stream.indirect_vreg.gather [hbm4b:s1+s3], $0x80, v4, vm0, $0xb8;
	[tilespmem:$0x10100] =	vst v63  }
0x10d: {  	_ = 	snop  }
0x10e: {  	[tilespmem:s26], [sflag:$0x1] =	stream.indirect_vreg.gather [hbm4b:s1+s3], $0x80, v3, vm0, $0xb8;
	[tilespmem:$0x10100] =	vst v63  }
0x10f: {  	v3 =	vld [tilespmem:$0x70];
	_ =	sdelay $0x4  }
0x110: {  	v55 =	vshll.u32 v3, $0x1  }
0x111: {  	v3 =	vand.u32 $0x7, v3;
	v4 =	vand.u32 $0xFFFFFFF0, v55  }
0x112: {  	v3 =	vor.u32 v3, v4  }
0x113: {  	v4 =	vperm.xlane v3, v0;
	_ =	sdelay $0x1  }
0x114: {  	v3 =	vperm.xlane v3, v2;
	v4 =	vadd.s32 v1, v4;
	_ =	sdelay $0x1  }
0x115: {  	v3 =	vadd.s32 v1, v3;
	_ =	sdelay $0x2  }
0x116: {  	[tilespmem:s28], [sflag:$0x1] =	stream.indirect_vreg.gather [hbm4b:s1+s3], $0x80, v4, vm0, $0xb8;
	[tilespmem:$0x10100] =	vst v63  }
0x117: {  	_ = 	snop  }
0x118: {  	[tilespmem:s29], [sflag:$0x1] =	stream.indirect_vreg.gather [hbm4b:s1+s3], $0x80, v3, vm0, $0xb8;
	[tilespmem:$0x10100] =	vst v63  }
0x119: {  	v3 =	vld [tilespmem:$0x80];
	_ =	sdelay $0x4  }
0x11a: {  	v56 =	vshll.u32 v3, $0x1  }
0x11b: {  	v3 =	vand.u32 $0x7, v3;
	v4 =	vand.u32 $0xFFFFFFF0, v56  }
0x11c: {  	v3 =	vor.u32 v3, v4  }
0x11d: {  	v4 =	vperm.xlane v3, v0;
	_ =	sdelay $0x1  }
0x11e: {  	v3 =	vperm.xlane v3, v2;
	v4 =	vadd.s32 v1, v4;
	_ =	sdelay $0x1  }
0x11f: {  	v3 =	vadd.s32 v1, v3;
	_ =	sdelay $0x2  }
0x120: {  	[tilespmem:s30], [sflag:$0x1] =	stream.indirect_vreg.gather [hbm4b:s1+s3], $0x80, v4, vm0, $0xb8;
	[tilespmem:$0x10100] =	vst v63  }
0x121: {  	_ = 	snop  }
0x122: {  	[tilespmem:s31], [sflag:$0x1] =	stream.indirect_vreg.gather [hbm4b:s1+s3], $0x80, v3, vm0, $0xb8;
	[tilespmem:$0x10100] =	vst v63  }
0x123: {  	v3 =	vld [tilespmem:$0x90];
	_ =	sdelay $0x4  }
0x124: {  	v57 =	vshll.u32 v3, $0x1  }
0x125: {  	v3 =	vand.u32 $0x7, v3;
	v4 =	vand.u32 $0xFFFFFFF0, v57  }
0x126: {  	v3 =	vor.u32 v3, v4  }
0x127: {  	v4 =	vperm.xlane v3, v0;
	_ =	sdelay $0x1  }
0x128: {  	v3 =	vperm.xlane v3, v2;
	v4 =	vadd.s32 v1, v4;
	_ =	sdelay $0x1  }
0x129: {  	v3 =	vadd.s32 v1, v3;
	_ =	sdelay $0x1  }
0x12a: {  	s13 =	simm.s32 $0x9100  }
0x12b: {  	[tilespmem:s13], [sflag:$0x1] =	stream.indirect_vreg.gather [hbm4b:s1+s3], $0x80, v4, vm0, $0xb8;
	[tilespmem:$0x10100] =	vst v63  }
0x12c: {  	_ = 	snop  }
0x12d: {  	[tilespmem:s2], [sflag:$0x1] =	stream.indirect_vreg.gather [hbm4b:s1+s3], $0x80, v3, vm0, $0xb8;
	[tilespmem:$0x10100] =	vst v63  }
0x12e: {  	v3 =	vld [tilespmem:$0xA0];
	_ =	sdelay $0x4  }
0x12f: {  	v58 =	vshll.u32 v3, $0x1  }
0x130: {  	v3 =	vand.u32 $0x7, v3;
	v4 =	vand.u32 $0xFFFFFFF0, v58  }
0x131: {  	v3 =	vor.u32 v3, v4  }
0x132: {  	v4 =	vperm.xlane v3, v0;
	_ =	sdelay $0x1  }
0x133: {  	v3 =	vperm.xlane v3, v2;
	v4 =	vadd.s32 v1, v4;
	_ =	sdelay $0x1  }
0x134: {  	v3 =	vadd.s32 v1, v3;
	_ =	sdelay $0x2  }
0x135: {  	[tilespmem:s7], [sflag:$0x1] =	stream.indirect_vreg.gather [hbm4b:s1+s3], $0x80, v4, vm0, $0xb8;
	[tilespmem:$0x10100] =	vst v63  }
0x136: {  	_ = 	snop  }
0x137: {  	[tilespmem:s8], [sflag:$0x1] =	stream.indirect_vreg.gather [hbm4b:s1+s3], $0x80, v3, vm0, $0xb8;
	[tilespmem:$0x10100] =	vst v63  }
0x138: {  	v3 =	vld [tilespmem:$0xB0];
	_ =	sdelay $0x4  }
0x139: {  	v59 =	vshll.u32 v3, $0x1  }
0x13a: {  	v3 =	vand.u32 $0x7, v3;
	v4 =	vand.u32 $0xFFFFFFF0, v59  }
0x13b: {  	v3 =	vor.u32 v3, v4  }
0x13c: {  	v4 =	vperm.xlane v3, v0;
	_ =	sdelay $0x1  }
0x13d: {  	v3 =	vperm.xlane v3, v2;
	v4 =	vadd.s32 v1, v4;
	_ =	sdelay $0x1  }
0x13e: {  	v3 =	vadd.s32 v1, v3;
	_ =	sdelay $0x2  }
0x13f: {  	[tilespmem:s9], [sflag:$0x1] =	stream.indirect_vreg.gather [hbm4b:s1+s3], $0x80, v4, vm0, $0xb8;
	[tilespmem:$0x10100] =	vst v63  }
0x140: {  	_ = 	snop  }
0x141: {  	[tilespmem:s10], [sflag:$0x1] =	stream.indirect_vreg.gather [hbm4b:s1+s3], $0x80, v3, vm0, $0xb8;
	[tilespmem:$0x10100] =	vst v63  }
0x142: {  	v3 =	vld [tilespmem:$0xC0];
	_ =	sdelay $0x4  }
0x143: {  	v60 =	vshll.u32 v3, $0x1  }
0x144: {  	v3 =	vand.u32 $0x7, v3;
	v4 =	vand.u32 $0xFFFFFFF0, v60  }
0x145: {  	v3 =	vor.u32 v3, v4  }
0x146: {  	v4 =	vperm.xlane v3, v0;
	_ =	sdelay $0x1  }
0x147: {  	v3 =	vperm.xlane v3, v2;
	v4 =	vadd.s32 v1, v4;
	_ =	sdelay $0x1  }
0x148: {  	v3 =	vadd.s32 v1, v3;
	_ =	sdelay $0x2  }
0x149: {  	[tilespmem:s11], [sflag:$0x1] =	stream.indirect_vreg.gather [hbm4b:s1+s3], $0x80, v4, vm0, $0xb8;
	[tilespmem:$0x10100] =	vst v63  }
0x14a: {  	_ = 	snop  }
0x14b: {  	[tilespmem:s6], [sflag:$0x1] =	stream.indirect_vreg.gather [hbm4b:s1+s3], $0x80, v3, vm0, $0xb8;
	[tilespmem:$0x10100] =	vst v63  }
0x14c: {  	v3 =	vld [tilespmem:$0xD0];
	_ =	sdelay $0x4  }
0x14d: {  	v61 =	vshll.u32 v3, $0x1  }
0x14e: {  	v3 =	vand.u32 $0x7, v3;
	v4 =	vand.u32 $0xFFFFFFF0, v61  }
0x14f: {  	v3 =	vor.u32 v3, v4  }
0x150: {  	v4 =	vperm.xlane v3, v0;
	_ =	sdelay $0x1  }
0x151: {  	v3 =	vperm.xlane v3, v2;
	v4 =	vadd.s32 v1, v4;
	_ =	sdelay $0x1  }
0x152: {  	v3 =	vadd.s32 v1, v3;
	_ =	sdelay $0x1  }
0x153: {  	s13 =	simm.s32 $0xD100  }
0x154: {  	[tilespmem:s13], [sflag:$0x1] =	stream.indirect_vreg.gather [hbm4b:s1+s3], $0x80, v4, vm0, $0xb8;
	[tilespmem:$0x10100] =	vst v63  }
0x155: {  	s13 =	simm.s32 $0xD900  }
0x156: {  	[tilespmem:s13], [sflag:$0x1] =	stream.indirect_vreg.gather [hbm4b:s1+s3], $0x80, v3, vm0, $0xb8;
	[tilespmem:$0x10100] =	vst v63  }
0x157: {  	v3 =	vld [tilespmem:$0xE0];
	_ =	sdelay $0x4  }
0x158: {  	v62 =	vshll.u32 v3, $0x1  }
0x159: {  	v3 =	vand.u32 $0x7, v3;
	v4 =	vand.u32 $0xFFFFFFF0, v62  }
0x15a: {  	v3 =	vor.u32 v3, v4  }
0x15b: {  	v4 =	vperm.xlane v3, v0;
	_ =	sdelay $0x1  }
0x15c: {  	v3 =	vperm.xlane v3, v2;
	v4 =	vadd.s32 v1, v4;
	_ =	sdelay $0x1  }
0x15d: {  	v3 =	vadd.s32 v1, v3;
	_ =	sdelay $0x1  }
0x15e: {  	s13 =	simm.s32 $0xE100  }
0x15f: {  	[tilespmem:s13], [sflag:$0x1] =	stream.indirect_vreg.gather [hbm4b:s1+s3], $0x80, v4, vm0, $0xb8;
	[tilespmem:$0x10100] =	vst v63  }
0x160: {  	s13 =	simm.s32 $0xE900  }
0x161: {  	[tilespmem:s13], [sflag:$0x1] =	stream.indirect_vreg.gather [hbm4b:s1+s3], $0x80, v3, vm0, $0xb8;
	[tilespmem:$0x10100] =	vst v63  }
0x162: {  	v3 =	vld [tilespmem:$0xF0];
	_ =	sdelay $0x4  }
0x163: {  	v63 =	vshll.u32 v3, $0x1  }
0x164: {  	v3 =	vand.u32 $0x7, v3;
	v4 =	vand.u32 $0xFFFFFFF0, v63  }
0x165: {  	v3 =	vor.u32 v3, v4  }
0x166: {  	v4 =	vperm.xlane v3, v0;
	_ =	sdelay $0x1  }
0x167: {  	v3 =	vperm.xlane v3, v2;
	v4 =	vadd.s32 v1, v4;
	_ =	sdelay $0x1  }
0x168: {  	v3 =	vadd.s32 v1, v3;
	_ =	sdelay $0x1  }
0x169: {  	s13 =	simm.s32 $0xF100  }
0x16a: {  	[tilespmem:s13], [sflag:$0x1] =	stream.indirect_vreg.gather [hbm4b:s1+s3], $0x80, v4, vm0, $0xb8;
	[tilespmem:$0x10100] =	vst v63  }
0x16b: {  	s13 =	simm.s32 $0xF900  }
0x16c: {  	[tilespmem:s13], [sflag:$0x1] =	stream.indirect_vreg.gather [hbm4b:s1+s3], $0x80, v3, vm0, $0xb8;
	[tilespmem:$0x10100] =	vst v63  }
0x16d: {  	_ =	swait.ge [sflag:s12], $0x10000  }
0x16e: {  	p0 =	sne.s32 s4, $0x1;
	s0 =	simm.s32 $0x100;
	[sflag:s12] =	ssyncset.done $0x0  }
.Ltmp0:
0x16f: {  	s13 =	rddreg [dreg:$0x6];
	[sflag:s12] =	ssyncadd.s32 $0xFFFF0000;
	(pc) =	sbr.rel @p0 .LBB2_1-.Ltmp0, $4  }
0x170: {  	[hbm4b:s13+s3] =	stream.linear.scatter [tilespmem:s0], [sflag:$0x2], $0x10000, $0x38;
	[tilespmem:$0x10100] =	vst v63  }
0x171: {  	_ =	swait.ge [sflag:s5], $0x10000  }
0x172: {  	[sflag:s5] =	ssyncset.done $0x0  }
0x173: {  	s4 =	sadd.s32 $0xFFFFFFFF, s4;
	[sflag:s5] =	ssyncadd.s32 $0xFFFF0000  }
0x174: {  	_ =	sfence.sel $0x180000  }
0x175: {  	[bflag:$0x0] =	sbarrier.arrive $0xFFFF  }
0x176: {  	_ =	strace $0x90000047  }
0x177: {  	s0 =	stileid.u32;
	[bflag:$0x2] =	sbarrier.arrive $0xFFFF  }
0x178: {  	p0 =	sne.s32 s0, $0x0;
	s0 =	rddreg [dreg:$0x2]  }
0x179: {  	s0 =	sadd.s32 @!p0 $0x100000, s0  }
0x17a: {  	[sflag:s0] =	ssyncadd.tile.s32 @!p0 $0x1;
	_ =	shalt  }
.Lfunc_end2:
_tile_overlayer_lowered:
.L_overlay_start_2:
0x17b: {  	(tag) =	ssettag $0x2  }
0x17c: {  	s0 =	rddreg [dreg:$0x0];
	s2 =	stileid.u32  }
0x17d: {  	s1 =	rddreg [dreg:$0x1];
	p0 =	sne.s32 s2, $0x0  }
0x17e: {  	s3 =	rddreg [dreg:$0x2];
	[bflag:$0x3] =	sbarrier.arrive $0xFFFF;
	s2 =	simm.s32 @!p0 $0x1C02  }
0x17f: {  	[timem:s3], [sflag:s2] =	dma.local @!p0 [hbm:s0], s1  }
0x180: {  	s0 =	simm.s32 @!p0 $0x2  }
0x181: {  	_ =	swait.ge @!p0 [sflag:s0], s1  }
0x182: {  	s1 =	ssub.s32 @!p0 $0x0, s1;
	[sflag:s0] =	ssyncset.done @!p0 $0x0  }
0x183: {  	[sflag:s0] =	ssyncadd.s32 @!p0 s1  }
0x184: {  	[bflag:$0x3] =	sbarrier.arrive $0xFFFF  }
0x185: {  	_ =	shalt  }

</sc_bundles>
